<compile_context>
chip_gen: v7x
topology: tpu7x:2x2x1
jax: 0.10.2.dev20260603
libtpu: 0.0.44.dev20260713+nightly
codegen_flags: <defaults>
</compile_context>

<pallas_src>
import functools

import jax
import jax.numpy as jnp
from jax import lax
from jax.experimental import pallas as pl
from jax.experimental.pallas import tpu as pltpu
from jax.experimental.pallas import tpu_sc as plsc

VOCAB = 151936
HIDDEN = 2560
N_TOK = 2048

_info = plsc.get_sparse_core_info()
_NC, _NS = _info.num_cores, _info.num_subcores
_NW = _NC * _NS
_ROWS_PER_W = N_TOK // _NW
_CHUNK = 16
_NCHUNK = _ROWS_PER_W // _CHUNK


def _gather_body(table_hbm, ids_hbm, out_hbm, idx_v, rows0, rows1, g0, g1,
                 o0, o1):
    wid = lax.axis_index("s") * _NC + lax.axis_index("c")
    base = wid * _ROWS_PER_W
    pltpu.sync_copy(ids_hbm.at[pl.ds(base, _ROWS_PER_W)], idx_v)
    bufs = (rows0, rows1)
    gsems = (g0, g1)
    osems = (o0, o1)
    gathers = [None] * _NCHUNK
    outs = [None] * _NCHUNK
    gathers[0] = pltpu.async_copy(
        table_hbm.at[idx_v.at[pl.ds(0, _CHUNK)]], bufs[0], gsems[0])
    for c in range(_NCHUNK):
        gathers[c].wait()
        if c + 1 < _NCHUNK:
            if c - 1 >= 0:
                outs[c - 1].wait()
            gathers[c + 1] = pltpu.async_copy(
                table_hbm.at[idx_v.at[pl.ds((c + 1) * _CHUNK, _CHUNK)]],
                bufs[(c + 1) % 2], gsems[(c + 1) % 2])
        outs[c] = pltpu.async_copy(
            bufs[c % 2], out_hbm.at[pl.ds(base + c * _CHUNK, _CHUNK)],
            osems[c % 2])
    outs[_NCHUNK - 2].wait()
    outs[_NCHUNK - 1].wait()


_gather = functools.partial(
    pl.kernel,
    mesh=plsc.VectorSubcoreMesh(core_axis_name="c", subcore_axis_name="s"),
    out_type=jax.ShapeDtypeStruct((N_TOK, HIDDEN), jnp.float32),
    scratch_types=[
        pltpu.VMEM((_ROWS_PER_W,), jnp.int32),
        pltpu.VMEM((_CHUNK, HIDDEN), jnp.float32),
        pltpu.VMEM((_CHUNK, HIDDEN), jnp.float32),
        pltpu.SemaphoreType.DMA,
        pltpu.SemaphoreType.DMA,
        pltpu.SemaphoreType.DMA,
        pltpu.SemaphoreType.DMA,
    ],
)(_gather_body)


_BN = 256


def _proj_body(x_ref, w_ref, b_ref, o_ref):
    acc = lax.dot_general(
        x_ref[...], w_ref[...], (((1,), (1,)), ((), ())),
        preferred_element_type=jnp.float32,
    )
    o_ref[...] = (acc + b_ref[...]).reshape(o_ref.shape)


def _proj(x, W, b2d, Bsz, L):
    grid = (HIDDEN // _BN,)
    return pl.pallas_call(
        _proj_body,
        grid=grid,
        in_specs=[
            pl.BlockSpec((N_TOK, HIDDEN), lambda j: (0, 0)),
            pl.BlockSpec((_BN, HIDDEN), lambda j: (j, 0)),
            pl.BlockSpec((1, _BN), lambda j: (0, j)),
        ],
        out_specs=pl.BlockSpec((Bsz, L, _BN), lambda j: (0, 0, j)),
        out_shape=jax.ShapeDtypeStruct((Bsz, L, HIDDEN), jnp.float32),
    )(x, W, b2d)


def kernel(input_ids, embedding, W, b):
    Bsz, L = input_ids.shape
    ids = input_ids.reshape(-1).astype(jnp.int32)
    x = _gather(embedding, ids)
    return _proj(x, W, b.reshape(1, HIDDEN), Bsz, L)

# --- scband reference (transcript-rebuilt; emitter-appended) ---
"""Pipeline reference for scband-simple-text-encoder-64493228917242 (READ-ONLY COPY).

The authoritative reference and input builder live on the scoring server;
editing this copy changes nothing except your own understanding.
"""

import jax, jax.numpy as jnp
import numpy as np

VOCAB = 151936
HIDDEN = 2560
B, L = 4, 512

def setup_inputs(seed: int = 0) -> dict:
    key = jax.random.key(seed)
    k_ids, k_emb, k_w, k_b = jax.random.split(key, 4)
    input_ids = jax.random.randint(k_ids, (B, L), 0, VOCAB, dtype=jnp.int64 if jax.config.jax_enable_x64 else jnp.int32)
    embedding = jax.random.normal(k_emb, (VOCAB, HIDDEN), dtype=jnp.float32) * 0.02
    W = jax.random.normal(k_w, (HIDDEN, HIDDEN), dtype=jnp.float32) * (1.0 / np.sqrt(HIDDEN))
    b = jax.random.normal(k_b, (HIDDEN,), dtype=jnp.float32) * 0.01
    return {"input_ids": input_ids, "embedding": embedding, "W": W, "b": b}

def reference(input_ids, embedding, W, b):
    # x = self.embedding(input_ids)
    x = jnp.take(embedding, input_ids, axis=0)
    # x = self.proj(x)  (torch Linear: x @ W.T + b)
    x = jnp.einsum('bld,od->blo', x, W) + b
    return x

if __name__ == "__main__":
    import jax
    _d = setup_inputs()
    print(jax.jit(kernel)(*tuple(_d.values())))

</pallas_src>

<mosaic_0001>
#map = affine_map<(d0, d1) -> (0, 0)>
#map1 = affine_map<(d0, d1) -> (0)>
module attributes {stable_mosaic.version = 14 : i64} {
  func.func @_gather_body(%arg0: i32, %arg1: i32, %arg2: memref<151936x2560xf32, #tpu.memory_space<hbm>>, %arg3: memref<2048xi32, #tpu.memory_space<hbm>>, %arg4: memref<2048x2560xf32, #tpu.memory_space<hbm>>, %arg5: memref<64xi32, #tpu.memory_space<vmem>>, %arg6: memref<16x2560xf32, #tpu.memory_space<vmem>>, %arg7: memref<16x2560xf32, #tpu.memory_space<vmem>>, %arg8: memref<!tpu.dma_semaphore, #tpu.memory_space<semaphore_mem>>, %arg9: memref<!tpu.dma_semaphore, #tpu.memory_space<semaphore_mem>>, %arg10: memref<!tpu.dma_semaphore, #tpu.memory_space<semaphore_mem>>, %arg11: memref<!tpu.dma_semaphore, #tpu.memory_space<semaphore_mem>>) attributes {dimension_semantics = [#tpu.dimension_semantics<core_parallel>, #tpu.dimension_semantics<subcore_parallel>], iteration_bounds = array<i64: 2, 16>, scalar_prefetch = 0 : i64, scratch_operands = 7 : i64, tpu.core_type = #tpu.core_type<sc_vector_subcore>, window_params = [{transform_indices = #map}, {transform_indices = #map1}, {transform_indices = #map}]} {
    %mul3A = arith.constant 2 : i32
    %mul3A_0 = arith.muli %arg1, %mul3A : i32
    %add3A = arith.addi %mul3A_0, %arg0 : i32
    %mul3A_1 = arith.constant 64 : i32
    %mul3A_2 = arith.muli %add3A, %mul3A_1 : i32
    "tpu.region"() ({
      %run_scoped3A = tpu.sem_alloc : memref<!tpu.dma_semaphore, #tpu.memory_space<semaphore_mem>>
      %dma_start3A_81 = tpu.memref_slice %arg3[%mul3A_2] : memref<2048xi32, #tpu.memory_space<hbm>> -> memref<64xi32, #tpu.memory_space<hbm>>
      %dma_start3A_82 = tpu.memref_slice %arg3[%mul3A_2] : memref<2048xi32, #tpu.memory_space<hbm>> -> memref<64xi32, #tpu.memory_space<hbm>>
      tpu.enqueue_dma source(%dma_start3A_82 : memref<64xi32, #tpu.memory_space<hbm>>) target(%arg5 : memref<64xi32, #tpu.memory_space<vmem>>) target_semaphore(%run_scoped3A : memref<!tpu.dma_semaphore, #tpu.memory_space<semaphore_mem>>)
      %dma_wait3A_83 = tpu.memref_slice %arg3[%mul3A_2] : memref<2048xi32, #tpu.memory_space<hbm>> -> memref<64xi32, #tpu.memory_space<hbm>>
      %dma_wait3A_84 = tpu.memref_slice %arg3[%mul3A_2] : memref<2048xi32, #tpu.memory_space<hbm>> -> memref<64xi32, #tpu.memory_space<hbm>>
      tpu.wait_dma2 semaphore(%run_scoped3A : memref<!tpu.dma_semaphore, #tpu.memory_space<semaphore_mem>>) src(%dma_wait3A_84 : memref<64xi32, #tpu.memory_space<hbm>>) dst(%arg5 : memref<64xi32, #tpu.memory_space<vmem>>)
      tpu.yield
    }) : () -> ()
    %dma_start3A = arith.constant 0 : i32
    %dma_start3A_3 = tpu.memref_slice %arg5[%dma_start3A] : memref<64xi32, #tpu.memory_space<vmem>> -> memref<16xi32, #tpu.memory_space<vmem>>
    %dma_start3A_4 = arith.constant 0 : i32
    %dma_start3A_5 = arith.constant 0 : i32
    %dma_start3A_6 = tpu.memref_slice %arg2[%dma_start3A_4, %dma_start3A_5] : memref<151936x2560xf32, #tpu.memory_space<hbm>> -> memref<151936x2560xf32, #tpu.memory_space<hbm>>
    tpu.enqueue_indirect_dma source(%dma_start3A_6 : memref<151936x2560xf32, #tpu.memory_space<hbm>>) target(%arg6 : memref<16x2560xf32, #tpu.memory_space<vmem>>) offsets(%dma_start3A_3 : memref<16xi32, #tpu.memory_space<vmem>>) semaphore(%arg8 : memref<!tpu.dma_semaphore, #tpu.memory_space<semaphore_mem>>)
    %dma_wait3A = arith.constant 0 : i32
    %dma_wait3A_7 = tpu.memref_slice %arg5[%dma_wait3A] : memref<64xi32, #tpu.memory_space<vmem>> -> memref<16xi32, #tpu.memory_space<vmem>>
    %dma_wait3A_8 = arith.constant 0 : i32
    %dma_wait3A_9 = arith.constant 0 : i32
    %dma_wait3A_10 = tpu.memref_slice %arg2[%dma_wait3A_8, %dma_wait3A_9] : memref<151936x2560xf32, #tpu.memory_space<hbm>> -> memref<151936x2560xf32, #tpu.memory_space<hbm>>
    tpu.wait_indirect_dma semaphore(%arg8 : memref<!tpu.dma_semaphore, #tpu.memory_space<semaphore_mem>>) src(%dma_wait3A_10 : memref<151936x2560xf32, #tpu.memory_space<hbm>>) dst(%arg6 : memref<16x2560xf32, #tpu.memory_space<vmem>>)
    %dma_start3A_11 = arith.constant 16 : i32
    %dma_start3A_12 = tpu.memref_slice %arg5[%dma_start3A_11] : memref<64xi32, #tpu.memory_space<vmem>> -> memref<16xi32, #tpu.memory_space<vmem>>
    %dma_start3A_13 = arith.constant 0 : i32
    %dma_start3A_14 = arith.constant 0 : i32
    %dma_start3A_15 = tpu.memref_slice %arg2[%dma_start3A_13, %dma_start3A_14] : memref<151936x2560xf32, #tpu.memory_space<hbm>> -> memref<151936x2560xf32, #tpu.memory_space<hbm>>
    tpu.enqueue_indirect_dma source(%dma_start3A_15 : memref<151936x2560xf32, #tpu.memory_space<hbm>>) target(%arg7 : memref<16x2560xf32, #tpu.memory_space<vmem>>) offsets(%dma_start3A_12 : memref<16xi32, #tpu.memory_space<vmem>>) semaphore(%arg9 : memref<!tpu.dma_semaphore, #tpu.memory_space<semaphore_mem>>)
    %add3A_16 = arith.constant 0 : i32
    %add3A_17 = arith.addi %mul3A_2, %add3A_16 : i32
    %dma_start3A_18 = arith.constant 0 : i32
    %dma_start3A_19 = tpu.memref_slice %arg4[%add3A_17, %dma_start3A_18] : memref<2048x2560xf32, #tpu.memory_space<hbm>> -> memref<16x2560xf32, #tpu.memory_space<hbm>>
    %dma_start3A_20 = arith.constant 0 : i32
    %dma_start3A_21 = tpu.memref_slice %arg4[%add3A_17, %dma_start3A_20] : memref<2048x2560xf32, #tpu.memory_space<hbm>> -> memref<16x2560xf32, #tpu.memory_space<hbm>>
    tpu.enqueue_dma source(%arg6 : memref<16x2560xf32, #tpu.memory_space<vmem>>) target(%dma_start3A_21 : memref<16x2560xf32, #tpu.memory_space<hbm>>) target_semaphore(%arg10 : memref<!tpu.dma_semaphore, #tpu.memory_space<semaphore_mem>>)
    %dma_wait3A_22 = arith.constant 16 : i32
    %dma_wait3A_23 = tpu.memref_slice %arg5[%dma_wait3A_22] : memref<64xi32, #tpu.memory_space<vmem>> -> memref<16xi32, #tpu.memory_space<vmem>>
    %dma_wait3A_24 = arith.constant 0 : i32
    %dma_wait3A_25 = arith.constant 0 : i32
    %dma_wait3A_26 = tpu.memref_slice %arg2[%dma_wait3A_24, %dma_wait3A_25] : memref<151936x2560xf32, #tpu.memory_space<hbm>> -> memref<151936x2560xf32, #tpu.memory_space<hbm>>
    tpu.wait_indirect_dma semaphore(%arg9 : memref<!tpu.dma_semaphore, #tpu.memory_space<semaphore_mem>>) src(%dma_wait3A_26 : memref<151936x2560xf32, #tpu.memory_space<hbm>>) dst(%arg7 : memref<16x2560xf32, #tpu.memory_space<vmem>>)
    %dma_wait3A_27 = arith.constant 0 : i32
    %dma_wait3A_28 = tpu.memref_slice %arg4[%add3A_17, %dma_wait3A_27] : memref<2048x2560xf32, #tpu.memory_space<hbm>> -> memref<16x2560xf32, #tpu.memory_space<hbm>>
    %dma_wait3A_29 = arith.constant 0 : i32
    %dma_wait3A_30 = tpu.memref_slice %arg4[%add3A_17, %dma_wait3A_29] : memref<2048x2560xf32, #tpu.memory_space<hbm>> -> memref<16x2560xf32, #tpu.memory_space<hbm>>
    tpu.wait_dma2 semaphore(%arg10 : memref<!tpu.dma_semaphore, #tpu.memory_space<semaphore_mem>>) src(%arg6 : memref<16x2560xf32, #tpu.memory_space<vmem>>) dst(%dma_wait3A_30 : memref<16x2560xf32, #tpu.memory_space<hbm>>)
    %dma_start3A_31 = arith.constant 32 : i32
    %dma_start3A_32 = tpu.memref_slice %arg5[%dma_start3A_31] : memref<64xi32, #tpu.memory_space<vmem>> -> memref<16xi32, #tpu.memory_space<vmem>>
    %dma_start3A_33 = arith.constant 0 : i32
    %dma_start3A_34 = arith.constant 0 : i32
    %dma_start3A_35 = tpu.memref_slice %arg2[%dma_start3A_33, %dma_start3A_34] : memref<151936x2560xf32, #tpu.memory_space<hbm>> -> memref<151936x2560xf32, #tpu.memory_space<hbm>>
    tpu.enqueue_indirect_dma source(%dma_start3A_35 : memref<151936x2560xf32, #tpu.memory_space<hbm>>) target(%arg6 : memref<16x2560xf32, #tpu.memory_space<vmem>>) offsets(%dma_start3A_32 : memref<16xi32, #tpu.memory_space<vmem>>) semaphore(%arg8 : memref<!tpu.dma_semaphore, #tpu.memory_space<semaphore_mem>>)
    %add3A_36 = arith.constant 16 : i32
    %add3A_37 = arith.addi %mul3A_2, %add3A_36 : i32
    %dma_start3A_38 = arith.constant 0 : i32
    %dma_start3A_39 = tpu.memref_slice %arg4[%add3A_37, %dma_start3A_38] : memref<2048x2560xf32, #tpu.memory_space<hbm>> -> memref<16x2560xf32, #tpu.memory_space<hbm>>
    %dma_start3A_40 = arith.constant 0 : i32
    %dma_start3A_41 = tpu.memref_slice %arg4[%add3A_37, %dma_start3A_40] : memref<2048x2560xf32, #tpu.memory_space<hbm>> -> memref<16x2560xf32, #tpu.memory_space<hbm>>
    tpu.enqueue_dma source(%arg7 : memref<16x2560xf32, #tpu.memory_space<vmem>>) target(%dma_start3A_41 : memref<16x2560xf32, #tpu.memory_space<hbm>>) target_semaphore(%arg11 : memref<!tpu.dma_semaphore, #tpu.memory_space<semaphore_mem>>)
    %dma_wait3A_42 = arith.constant 32 : i32
    %dma_wait3A_43 = tpu.memref_slice %arg5[%dma_wait3A_42] : memref<64xi32, #tpu.memory_space<vmem>> -> memref<16xi32, #tpu.memory_space<vmem>>
    %dma_wait3A_44 = arith.constant 0 : i32
    %dma_wait3A_45 = arith.constant 0 : i32
    %dma_wait3A_46 = tpu.memref_slice %arg2[%dma_wait3A_44, %dma_wait3A_45] : memref<151936x2560xf32, #tpu.memory_space<hbm>> -> memref<151936x2560xf32, #tpu.memory_space<hbm>>
    tpu.wait_indirect_dma semaphore(%arg8 : memref<!tpu.dma_semaphore, #tpu.memory_space<semaphore_mem>>) src(%dma_wait3A_46 : memref<151936x2560xf32, #tpu.memory_space<hbm>>) dst(%arg6 : memref<16x2560xf32, #tpu.memory_space<vmem>>)
    %dma_wait3A_47 = arith.constant 0 : i32
    %dma_wait3A_48 = tpu.memref_slice %arg4[%add3A_37, %dma_wait3A_47] : memref<2048x2560xf32, #tpu.memory_space<hbm>> -> memref<16x2560xf32, #tpu.memory_space<hbm>>
    %dma_wait3A_49 = arith.constant 0 : i32
    %dma_wait3A_50 = tpu.memref_slice %arg4[%add3A_37, %dma_wait3A_49] : memref<2048x2560xf32, #tpu.memory_space<hbm>> -> memref<16x2560xf32, #tpu.memory_space<hbm>>
    tpu.wait_dma2 semaphore(%arg11 : memref<!tpu.dma_semaphore, #tpu.memory_space<semaphore_mem>>) src(%arg7 : memref<16x2560xf32, #tpu.memory_space<vmem>>) dst(%dma_wait3A_50 : memref<16x2560xf32, #tpu.memory_space<hbm>>)
    %dma_start3A_51 = arith.constant 48 : i32
    %dma_start3A_52 = tpu.memref_slice %arg5[%dma_start3A_51] : memref<64xi32, #tpu.memory_space<vmem>> -> memref<16xi32, #tpu.memory_space<vmem>>
    %dma_start3A_53 = arith.constant 0 : i32
    %dma_start3A_54 = arith.constant 0 : i32
    %dma_start3A_55 = tpu.memref_slice %arg2[%dma_start3A_53, %dma_start3A_54] : memref<151936x2560xf32, #tpu.memory_space<hbm>> -> memref<151936x2560xf32, #tpu.memory_space<hbm>>
    tpu.enqueue_indirect_dma source(%dma_start3A_55 : memref<151936x2560xf32, #tpu.memory_space<hbm>>) target(%arg7 : memref<16x2560xf32, #tpu.memory_space<vmem>>) offsets(%dma_start3A_52 : memref<16xi32, #tpu.memory_space<vmem>>) semaphore(%arg9 : memref<!tpu.dma_semaphore, #tpu.memory_space<semaphore_mem>>)
    %add3A_56 = arith.constant 32 : i32
    %add3A_57 = arith.addi %mul3A_2, %add3A_56 : i32
    %dma_start3A_58 = arith.constant 0 : i32
    %dma_start3A_59 = tpu.memref_slice %arg4[%add3A_57, %dma_start3A_58] : memref<2048x2560xf32, #tpu.memory_space<hbm>> -> memref<16x2560xf32, #tpu.memory_space<hbm>>
    %dma_start3A_60 = arith.constant 0 : i32
    %dma_start3A_61 = tpu.memref_slice %arg4[%add3A_57, %dma_start3A_60] : memref<2048x2560xf32, #tpu.memory_space<hbm>> -> memref<16x2560xf32, #tpu.memory_space<hbm>>
    tpu.enqueue_dma source(%arg6 : memref<16x2560xf32, #tpu.memory_space<vmem>>) target(%dma_start3A_61 : memref<16x2560xf32, #tpu.memory_space<hbm>>) target_semaphore(%arg10 : memref<!tpu.dma_semaphore, #tpu.memory_space<semaphore_mem>>)
    %dma_wait3A_62 = arith.constant 48 : i32
    %dma_wait3A_63 = tpu.memref_slice %arg5[%dma_wait3A_62] : memref<64xi32, #tpu.memory_space<vmem>> -> memref<16xi32, #tpu.memory_space<vmem>>
    %dma_wait3A_64 = arith.constant 0 : i32
    %dma_wait3A_65 = arith.constant 0 : i32
    %dma_wait3A_66 = tpu.memref_slice %arg2[%dma_wait3A_64, %dma_wait3A_65] : memref<151936x2560xf32, #tpu.memory_space<hbm>> -> memref<151936x2560xf32, #tpu.memory_space<hbm>>
    tpu.wait_indirect_dma semaphore(%arg9 : memref<!tpu.dma_semaphore, #tpu.memory_space<semaphore_mem>>) src(%dma_wait3A_66 : memref<151936x2560xf32, #tpu.memory_space<hbm>>) dst(%arg7 : memref<16x2560xf32, #tpu.memory_space<vmem>>)
    %add3A_67 = arith.constant 48 : i32
    %add3A_68 = arith.addi %mul3A_2, %add3A_67 : i32
    %dma_start3A_69 = arith.constant 0 : i32
    %dma_start3A_70 = tpu.memref_slice %arg4[%add3A_68, %dma_start3A_69] : memref<2048x2560xf32, #tpu.memory_space<hbm>> -> memref<16x2560xf32, #tpu.memory_space<hbm>>
    %dma_start3A_71 = arith.constant 0 : i32
    %dma_start3A_72 = tpu.memref_slice %arg4[%add3A_68, %dma_start3A_71] : memref<2048x2560xf32, #tpu.memory_space<hbm>> -> memref<16x2560xf32, #tpu.memory_space<hbm>>
    tpu.enqueue_dma source(%arg7 : memref<16x2560xf32, #tpu.memory_space<vmem>>) target(%dma_start3A_72 : memref<16x2560xf32, #tpu.memory_space<hbm>>) target_semaphore(%arg11 : memref<!tpu.dma_semaphore, #tpu.memory_space<semaphore_mem>>)
    %dma_wait3A_73 = arith.constant 0 : i32
    %dma_wait3A_74 = tpu.memref_slice %arg4[%add3A_57, %dma_wait3A_73] : memref<2048x2560xf32, #tpu.memory_space<hbm>> -> memref<16x2560xf32, #tpu.memory_space<hbm>>
    %dma_wait3A_75 = arith.constant 0 : i32
    %dma_wait3A_76 = tpu.memref_slice %arg4[%add3A_57, %dma_wait3A_75] : memref<2048x2560xf32, #tpu.memory_space<hbm>> -> memref<16x2560xf32, #tpu.memory_space<hbm>>
    tpu.wait_dma2 semaphore(%arg10 : memref<!tpu.dma_semaphore, #tpu.memory_space<semaphore_mem>>) src(%arg6 : memref<16x2560xf32, #tpu.memory_space<vmem>>) dst(%dma_wait3A_76 : memref<16x2560xf32, #tpu.memory_space<hbm>>)
    %dma_wait3A_77 = arith.constant 0 : i32
    %dma_wait3A_78 = tpu.memref_slice %arg4[%add3A_68, %dma_wait3A_77] : memref<2048x2560xf32, #tpu.memory_space<hbm>> -> memref<16x2560xf32, #tpu.memory_space<hbm>>
    %dma_wait3A_79 = arith.constant 0 : i32
    %dma_wait3A_80 = tpu.memref_slice %arg4[%add3A_68, %dma_wait3A_79] : memref<2048x2560xf32, #tpu.memory_space<hbm>> -> memref<16x2560xf32, #tpu.memory_space<hbm>>
    tpu.wait_dma2 semaphore(%arg11 : memref<!tpu.dma_semaphore, #tpu.memory_space<semaphore_mem>>) src(%arg7 : memref<16x2560xf32, #tpu.memory_space<vmem>>) dst(%dma_wait3A_80 : memref<16x2560xf32, #tpu.memory_space<hbm>>)
    return
  }
}

module attributes {stable_mosaic.version = 14 : i64} {
  func.func @_proj_body(%arg0: i32, %arg1: memref<2048x2560xf32, #tpu.memory_space<vmem>>, %arg2: memref<256x2560xf32, #tpu.memory_space<vmem>>, %arg3: memref<1x256xf32, #tpu.memory_space<vmem>>, %arg4: memref<4x512x256xf32, #tpu.memory_space<vmem>>) attributes {dimension_semantics = [#tpu.dimension_semantics<arbitrary>], iteration_bounds = array<i64: 10>, scalar_prefetch = 0 : i64, scratch_operands = 0 : i64, tpu.core_type = #tpu.core_type<tc>, window_params = [{pipeline_mode = #tpu.pipeline_mode<synchronous>, transform_indices = @transform_0, window_bounds = array<i64: 2048, 2560>}, {transform_indices = @transform_1, window_bounds = array<i64: 256, 2560>}, {transform_indices = @transform_2, window_bounds = array<i64: 1, 256>}, {transform_indices = @transform_3, window_bounds = array<i64: 4, 512, 256>}]} {
    %get3A = arith.constant 0 : index
    %get3A_0 = arith.constant 0 : index
    %get3A_1 = vector.load %arg1[%get3A, %get3A_0] : memref<2048x2560xf32, #tpu.memory_space<vmem>>, vector<2048x2560xf32>
    %get3A_2 = arith.constant 0 : index
    %get3A_3 = arith.constant 0 : index
    %get3A_4 = vector.load %arg2[%get3A_2, %get3A_3] : memref<256x2560xf32, #tpu.memory_space<vmem>>, vector<256x2560xf32>
    %dot_general3A = arith.constant dense<0.000000e+00> : vector<2048x256xf32>
    %dot_general3A_5 = tpu.matmul %get3A_1, %get3A_4, %dot_general3A {dimension_numbers = #tpu.dot_dimension_numbers<[1], [1], [0], [0], [0, 0, 1, 0], [], []>, transpose_lhs_hint = false} : vector<2048x2560xf32>, vector<256x2560xf32>, vector<2048x256xf32> -> vector<2048x256xf32>
    %get3A_6 = arith.constant 0 : index
    %get3A_7 = arith.constant 0 : index
    %get3A_8 = vector.load %arg3[%get3A_6, %get3A_7] : memref<1x256xf32, #tpu.memory_space<vmem>>, vector<1x256xf32>
    %add3A = vector.broadcast %get3A_8 : vector<1x256xf32> to vector<2048x256xf32>
    %add3A_9 = arith.addf %dot_general3A_5, %add3A : vector<2048x256xf32>
    %reshape3A = vector.shape_cast %add3A_9 : vector<2048x256xf32> to vector<4x512x256xf32>
    %swap3A = arith.constant 0 : index
    %swap3A_10 = arith.constant 0 : index
    %swap3A_11 = arith.constant 0 : index
    %swap3A_12 = vector.load %arg4[%swap3A, %swap3A_10, %swap3A_11] : memref<4x512x256xf32, #tpu.memory_space<vmem>>, vector<4x512x256xf32>
    tpu.vector_store %arg4[%swap3A, %swap3A_10, %swap3A_11], %reshape3A {strides = array<i32>} : memref<4x512x256xf32, #tpu.memory_space<vmem>>, vector<4x512x256xf32>,
    return
  }
  func.func @transform_0(%arg0: i32) -> (i32, i32) {
    %c0_i32 = arith.constant 0 : i32
    %c0_i32_0 = arith.constant 0 : i32
    %c0_i32_1 = arith.constant 0 : i32
    return %c0_i32, %c0_i32_0 : i32, i32
  }
  func.func @transform_1(%arg0: i32) -> (i32, i32) {
    %c0_i32 = arith.constant 0 : i32
    %c0_i32_0 = arith.constant 0 : i32
    return %arg0, %c0_i32 : i32, i32
  }
  func.func @transform_2(%arg0: i32) -> (i32, i32) {
    %c0_i32 = arith.constant 0 : i32
    %c0_i32_0 = arith.constant 0 : i32
    return %c0_i32, %arg0 : i32, i32
  }
  func.func @transform_3(%arg0: i32) -> (i32, i32, i32) {
    %c0_i32 = arith.constant 0 : i32
    %c0_i32_0 = arith.constant 0 : i32
    %c0_i32_1 = arith.constant 0 : i32
    return %c0_i32, %c0_i32_0, %arg0 : i32, i32, i32
  }
}

</mosaic_0001>

<sc_bundles>
// kernel: kernel.4.cloned.1.call-start
scs
__scs_entry_jumppad:
0x0: {  	(pc) =	sbr.rel $0x88, $3  }
0x1: {  	(tag) =	ssettag $0x0;
	lr =	simm.s32 $0x1  }
0x2: {  	[smem:$0x3F9D] =	sst lr;
	_ =	strace $0xD0000000  }
0x3: {  	_ = 	snop  }
0x4: {  	_ = 	snop  }
0x5: {  	_ = 	snop  }
0x6: {  	_ = 	snop  }
0x7: {  	_ = 	snop  }
__scs_overlays_trampoline_lowered:
0x8: {  	[smem:$0x3FAC] =	sst s0  }
0x9: {  	[smem:$0x3FAD] =	sst s1  }
0xa: {  	[smem:$0x3FAE] =	sst s2  }
0xb: {  	[smem:$0x3FAF] =	sst s3  }
0xc: {  	[smem:$0x3FB0] =	sst s4  }
0xd: {  	[smem:$0x3FB1] =	sst s5  }
0xe: {  	[smem:$0x3FB2] =	sst s6  }
0xf: {  	[smem:$0x3FB3] =	sst s7  }
0x10: {  	[smem:$0x3FB4] =	sst s8  }
0x11: {  	[smem:$0x3FB5] =	sst s9;
	s0 =	simm.s32 @!p0 $0x0  }
0x12: {  	s1 =	sld [smem:$0x3F9B];
	s0 =	simm.s32 @p0 $0x1  }
0x13: {  	[smem:$0x3FB6] =	sst s0;
	s0 =	simm.s32 @!p1 $0x0  }
0x14: {  	s2 =	sld [smem:$0x3F9A];
	s0 =	simm.s32 @p1 $0x1  }
0x15: {  	[smem:$0x3FB7] =	sst s0;
	s0 =	simm.s32 @!p2 $0x0  }
0x16: {  	s3 =	sld [smem:$0x3FDB];
	s0 =	simm.s32 @p2 $0x1  }
0x17: {  	s4 =	simm.s32 $0x1BF5;
	[smem:$0x3FB9] =	sst s0  }
0x18: {  	s0 =	sld [smem:$0x3F9C];
	_ =	swait.ge [sflag:s4], $0x0  }
0x19: {  	s7 =	sld [smem:$0x3F9D]  }
0x1a: {  	s8 =	sadd.s32 $0xFFFFE003, lr  }
0x1b: {  	s9 =	sadd.s32 $0xFFFFFEF7, lr;
	s5 =	simm.s32 $0xFFFFFFFF;
	p2 =	slt.u32 s8, $0xFFFFF086  }
0x1c: {  	p1 =	slt.u32 s9, $0xF7A;
	s5 =	simm.s32 @!p2 $0x0  }
0x1d: {  	s5 =	simm.s32 @p1 $0x1;
	p0 =	seq.s32 s7, s2  }
0x1e: {  	s7 =	smul.u32 @!p0 $0xF7A, s2;
	p2 =	seq.s32 @!p0 s5, $0x0  }
0x1f: {  	s9 =	smul.u32 $0xF7A, s1;
	s8 =	simm.s32 @!p0 $0x1BF5;
	p2 =	por !p2, p0  }
0x20: {  	[sflag:s8] =	ssyncset.s32 @!p0 $0xFFFFF086;
	s6 =	sadd.s32 @!p0 s3, s7;
	s7 =	simm.s32 @!p0 $0x108  }
0x21: {  	s3 =	sadd.s32 s3, s9;
	s6 =	sadd.s32 @!p0 $0x88, s6;
	s7 =	simm.s32 @p2 $0x1082  }
0x22: {  	[simem:s7], [sflag:s8] =	dma.local @!p0 [hbm:s6], $0xF7A  }
0x23: {  	s9 =	sor.u32 $0xD0000000, s2;
	s6 =	simm.s32 $0x108;
	_ =	swait.ge @!p0 [sflag:s8], $0x0  }
0x24: {  	s3 =	sadd.s32 $0x88, s3;
	s6 =	simm.s32 @!p1 $0x1082;
	[sflag:s4] =	ssyncset.s32 $0xFFFFF086  }
0x25: {  	[simem:s6], [sflag:s4] =	dma.local [hbm:s3], $0xF7A  }
0x26: {  	[smem:$0x3F9D] =	sst s1;
	(tag) =	ssettag s2;
	_ =	strace s9  }
0x27: {  	s1 =	sld [smem:$0x3FAD]  }
0x28: {  	s2 =	sld [smem:$0x3FAE]  }
0x29: {  	s4 =	sld [smem:$0x3FB0]  }
0x2a: {  	p0 =	seq.s32 s5, $0x0;
	s5 =	sld [smem:$0x3FB1]  }
0x2b: {  	s6 =	sld [smem:$0x3FB2]  }
0x2c: {  	s7 =	sld [smem:$0x3FB3]  }
0x2d: {  	s3 =	simm.s32 $0x108;
	s8 =	sld [smem:$0x3FB4]  }
0x2e: {  	s3 =	simm.s32 @!p0 $0x1082;
	s9 =	sld [smem:$0x3FB5]  }
0x2f: {  	lr =	sadd.s32 s0, s3;
	s0 =	sld [smem:$0x3FAC]  }
0x30: {  	s3 =	sld [smem:$0x3FAF]  }
0x31: {  	[smem:$0x3FB8] =	sst s10  }
0x32: {  	s10 =	sld [smem:$0x3FB6];
	_ =	sdelay $0x3  }
0x33: {  	p0 =	seq.s32 s10, $0x1;
	s10 =	sld [smem:$0x3FB8];
	_ =	sdelay $0x3  }
0x34: {  	[smem:$0x3FB8] =	sst s10  }
0x35: {  	s10 =	sld [smem:$0x3FB7];
	_ =	sdelay $0x3  }
0x36: {  	p1 =	seq.s32 s10, $0x1;
	s10 =	sld [smem:$0x3FB8];
	_ =	sdelay $0x3  }
0x37: {  	[smem:$0x3FB8] =	sst s10  }
0x38: {  	s10 =	sld [smem:$0x3FB9]  }
0x39: {  	_ = 	snop;
	(pc) =	sbr.ind lr, $3  }
0x3a: {  	_ = 	snop  }
0x3b: {  	_ = 	snop  }
0x3c: {  	p2 =	seq.s32 s10, $0x1;
	s10 =	sld [smem:$0x3FB8]  }
0x3d: {  	_ =	shalt  }
0x3e: {  	_ =	shalt  }
0x3f: {  	_ =	shalt  }
0x40: {  	_ =	shalt  }
0x41: {  	_ =	shalt  }
0x42: {  	_ =	shalt  }
0x43: {  	_ =	shalt  }
0x44: {  	_ =	shalt  }
0x45: {  	_ =	shalt  }
0x46: {  	_ =	shalt  }
0x47: {  	_ =	shalt  }
0x48: {  	_ =	shalt  }
0x49: {  	_ =	shalt  }
0x4a: {  	_ =	shalt  }
0x4b: {  	_ =	shalt  }
0x4c: {  	_ =	shalt  }
0x4d: {  	_ =	shalt  }
0x4e: {  	_ =	shalt  }
0x4f: {  	_ =	shalt  }
0x50: {  	_ =	shalt  }
0x51: {  	_ =	shalt  }
0x52: {  	_ =	shalt  }
0x53: {  	_ =	shalt  }
0x54: {  	_ =	shalt  }
0x55: {  	_ =	shalt  }
0x56: {  	_ =	shalt  }
0x57: {  	_ =	shalt  }
0x58: {  	_ =	shalt  }
0x59: {  	_ =	shalt  }
0x5a: {  	_ =	shalt  }
0x5b: {  	_ =	shalt  }
0x5c: {  	_ =	shalt  }
0x5d: {  	_ =	shalt  }
0x5e: {  	_ =	shalt  }
0x5f: {  	_ =	shalt  }
0x60: {  	_ =	shalt  }
0x61: {  	_ =	shalt  }
0x62: {  	_ =	shalt  }
0x63: {  	_ =	shalt  }
0x64: {  	_ =	shalt  }
0x65: {  	_ =	shalt  }
0x66: {  	_ =	shalt  }
0x67: {  	_ =	shalt  }
0x68: {  	_ =	shalt  }
0x69: {  	_ =	shalt  }
0x6a: {  	_ =	shalt  }
0x6b: {  	_ =	shalt  }
0x6c: {  	_ =	shalt  }
0x6d: {  	_ =	shalt  }
0x6e: {  	_ =	shalt  }
0x6f: {  	_ =	shalt  }
0x70: {  	_ =	shalt  }
0x71: {  	_ =	shalt  }
0x72: {  	_ =	shalt  }
0x73: {  	_ =	shalt  }
0x74: {  	_ =	shalt  }
0x75: {  	_ =	shalt  }
0x76: {  	_ =	shalt  }
0x77: {  	_ =	shalt  }
0x78: {  	_ =	shalt  }
0x79: {  	_ =	shalt  }
0x7a: {  	_ =	shalt  }
0x7b: {  	_ =	shalt  }
0x7c: {  	_ =	shalt  }
0x7d: {  	_ =	shalt  }
0x7e: {  	_ =	shalt  }
0x7f: {  	_ =	shalt  }
0x80: {  	_ =	shalt  }
0x81: {  	_ =	shalt  }
0x82: {  	_ =	shalt  }
0x83: {  	_ =	shalt  }
0x84: {  	_ =	shalt  }
0x85: {  	_ =	shalt  }
0x86: {  	_ =	shalt  }
0x87: {  	_ =	shalt  }
.Lfunc_end0:
.L_simem_size_0:
called_computation_lowered:
.L_overlay_start_0:
0x88: {  	s2 =	sld [smem:$0x3FD9]  }
0x89: {  	s3 =	sld [smem:$0x3FFE];
	_ =	sdelay $0x1  }
0x8a: {  	s1 =	srdreg.scid  }
0x8b: {  	s0 =	sand.u32 $0x1, s1  }
0x8c: {  	s17 =	sshll.u32 s0, $0xA;
	s2 =	sadd.s32 s3, s2  }
0x8d: {  	s2 =	sadd.s32 s2, s17  }
0x8e: {  	[smem:$0x3FC4] =	sst s2  }
0x8f: {  	_ = 	snop  }
0x90: {  	s2 =	sld [smem:$0x3FC8]  }
0x91: {  	s18 =	sld [smem:$0x3FD0];
	(tm) =	ssettm $0x1  }
0x92: {  	s4 =	sld [smem:$0x3FFB];
	_ =	sdelay $0x3  }
0x93: {  	_ =	strace s4  }
0x94: {  	s4 =	sld [smem:$0x3FFC];
	_ =	sdelay $0x3  }
0x95: {  	_ =	strace s4  }
0x96: {  	s4 =	sld [smem:$0x3FFD];
	_ =	sdelay $0x3  }
0x97: {  	_ =	strace s4  }
0x98: {  	_ =	strace $0x8FFFFFFF  }
0x99: {  	s19 =	sld [smem:$0x3FDB];
	_ =	sdelay $0x1  }
0x9a: {  	s5 =	simm.s32 $_scs_section_size  }
0x9b: {  	s6 =	simm.s32 $_size__tile_overlayer_lowered;
	s7 =	simm.s32 $_tile_overlayer_lowered  }
0x9c: {  	s22 =	simm.s32 $0x1BFF;
	s21 =	sshll.u32 s7, $0x1;
	s4 =	sadd.s32 s5, s19  }
0x9d: {  	s8 =	simm.s32 $0x0;
	s20 =	sshll.u32 s6, $0x1;
	s6 =	sadd.s32 s21, s4  }
0x9e: {  	[timem:s8], [sflag:s22] =	dma.local [hbm:s6], s20  }
0x9f: {  	_ =	swait.ge [sflag:s22], s20  }
0xa0: {  	s5 =	ssub.s32 $0x0, s20;
	[sflag:s22] =	ssyncset.done $0x0  }
0xa1: {  	[sflag:s22] =	ssyncadd.s32 s5;
	_ =	sdelay $0x1  }
0xa2: {  	s23 =	simm.s32 $0x1B8B  }
0xa3: {  	_ =	swait.ge [sflag:s23], $0x1  }
0xa4: {  	[sflag:s23] =	ssyncset.done $0x0  }
0xa5: {  	s25 =	simm.s32 $0x1B8E;
	s24 =	sld [smem:$0x3FFE];
	[sflag:s23] =	ssyncadd.s32 $0xFFFFFFFF  }
0xa6: {  	s26 =	simm.s32 $execute0_lowered;
	[smem:$0x3FD2] =	sst s25  }
0xa7: {  	s6 =	sshll.u32 s26, $0x1;
	_ =	strace $0x80000046;
	[dreg:$0x1] =	wrdreg $0xFFFFFFFF  }
0xa8: {  	s28 =	simm.s32 $_size_execute0_lowered;
	s4 =	sadd.s32 s4, s6;
	[dreg:$0x0] =	wrdreg $0x0  }
0xa9: {  	s6 =	sshll.u32 s28, $0x1;
	[dreg:$0x2] =	wrdreg s4  }
0xaa: {  	[dreg:$0x3] =	wrdreg s6  }
0xab: {  	[dreg:$0x4] =	wrdreg $0xC0  }
0xac: {  	_ =	task [dreg:s8], $0x5FFFF  }
0xad: {  	[dreg:$0x1] =	wrdreg $0xFFFFFFFF  }
0xae: {  	[dreg:$0x0] =	wrdreg $0x60  }
0xaf: {  	[dreg:$0x2] =	wrdreg s2  }
0xb0: {  	[dreg:$0x3] =	wrdreg s24  }
0xb1: {  	[dreg:$0x4] =	wrdreg s18  }
0xb2: {  	[dreg:$0x5] =	wrdreg $0x9  }
0xb3: {  	_ =	task.clear_ibuf [dreg:s8], $0x6FFFF;
	_ =	strace $0x90000046  }
0xb4: {  	s29 =	simm.s32 $0x9;
	_ =	strace $0x80000048  }
0xb5: {  	_ =	swait.ge [sflag:s29], $0x1  }
0xb6: {  	[sflag:s29] =	ssyncadd.s32 $0xFFFFFFFF  }
0xb7: {  	_ =	strace $0x90000048  }
0xb8: {  	_ =	sfence  }
0xb9: {  	s30 =	sld [smem:$0x0];
	_ =	sdelay $0x2  }
0xba: {  	s31 =	sshll.u32 s1, $0xD;
	s1 =	sshrl.u32 s1, $0x2  }
0xbb: {  	s3 =	sand.u32 $0x4000, s31;
	s1 =	sadd.s32 s1, s30  }
0xbc: {  	s0 =	sor.u32 s3, s0;
	s1 =	sshll.u32 s1, $0x11  }
0xbd: {  	s0 =	sor.u32 s1, s0  }
0xbe: {  	s0 =	sadd.s32 $0x8F2B, s0  }
0xbf: {  	[sflag:s0] =	ssyncadd.remote.s32 $0x1  }
0xc0: {  	_ =	sfence.sel $0xFFFF  }
0xc1: {  	[dreg:$0x0] =	wrdreg $0xFFFFFFFF;
	(pc) =	sbr.abs _section_cstart, $3  }
0xc2: {  	[dreg:$0x1] =	wrdreg $0xFFFFFFFF  }
0xc3: {  	_ =	task.clear_ibuf [dreg:s8], $0x2FFFF;
	_ =	strace $0x9FFFFFFF  }
0xc4: {  	(tm) =	ssettm $0x7FFFFFFF  }
0xc5: {  	_ =	shalt  }
tec
execute0_lowered:
.L_overlay_start_1:
0x0: {  	(tag) =	ssettag $0x1  }
0x1: {  	s1 =	rddreg [dreg:$0x0]  }
0x2: {  	s0 =	srdreg.scid;
	s2 =	rddreg [dreg:$0x1]  }
0x3: {  	s3 =	stileid.u32;
	s9 =	rddreg [dreg:$0x2]  }
0x4: {  	s25 =	simm.s32 $0x3;
	s19 =	simm.s32 $0x80;
	s29 =	simm.s32 $0x880  }
0x5: {  	s30 =	simm.s32 $0x1080;
	s31 =	simm.s32 $0x1880;
	s16 =	simm.s32 $0x3080  }
0x6: {  	s17 =	simm.s32 $0x3880;
	s20 =	simm.s32 $0x4080;
	s21 =	simm.s32 $0x4880  }
0x7: {  	s22 =	simm.s32 $0x5080;
	s23 =	simm.s32 $0x5880;
	s15 =	simm.s32 $0x6880  }
0x8: {  	s18 =	simm.s32 $0x7080;
	s24 =	simm.s32 $0x1;
	s0 =	sand.u32 $0x1, s0  }
0x9: {  	s4 =	sshll.u32 s3, $0x4;
	s3 =	simm.s32 $0x0;
	s7 =	sadd.s32 $0x400, s1  }
0xa: {  	s8 =	sadd.s32 $0x500, s1;
	s5 =	sshll.u32 s0, $0x3;
	[smem:$0x7FF] =	sst s3  }
0xb: {  	s0 =	ssub.s32 $0x2, s0;
	s6 =	sor.u32 s5, s4;
	_ =	strace $0x80000047  }
0xc: {  	s26 =	sshrl.u32 s0, $0x1;
	s4 =	sadd.s32 $0x100, s1;
	s5 =	sadd.s32 $0x200, s1  }
0xd: {  	s2 =	sadd.s32 s6, s2;
	s0 =	ssub.s32 s0, s26;
	s28 =	smul.u32 $0x5000, s6  }
0xe: {  	s10 =	smul.u32 $0xA00, s6;
	s6 =	sadd.s32 $0x300, s1;
	s2 =	sadd.s32 $0x800, s2  }
0xf: {  	s26 =	simm.s32 $0x4;
	[dreg:$0x4] =	wrdreg s2;
	s2 =	sshrl.u32 s28, $0x3  }
0x10: {  	s13 =	smax.u32 s0, $0x1;
	s10 =	sadd.s32 s9, s10;
	s2 =	sadd.s32 s9, s2  }
0x11: {  	s9 =	sadd.s32 $0x600, s1;
	[dreg:$0x5] =	wrdreg s10;
	s11 =	sadd.s32 $0x1400, s2  }
0x12: {  	v2 =	vlaneseq.u32;
	s10 =	sadd.s32 $0x700, s1;
	s12 =	sadd.s32 $0x2800, s2;
	[dreg:$0x6] =	wrdreg s11  }
0x13: {  	vm0 =	vmmov $0xffff;
	v1 =	vshrl.u32 v2, $0x3;
	s2 =	sadd.s32 $0x3C00, s2;
	s11 =	sadd.s32 $0x800, s1;
	[dreg:$0x7] =	wrdreg s12  }
0x14: {  	v0 =	vand.u32 $0x7, v2;
	v2 =	vor.u32 $0x8, v2;
	v1 =	vmul.u32 $0x8, v1;
	s12 =	sadd.s32 $0x900, s1;
	[dreg:$0x8] =	wrdreg s2;
	s2 =	simm.s32 $0x2  }
.LBB2_1:
0x15: {  	s28 =	rddreg [dreg:$0x4];
	s0 =	simm.s32 $0x5  }
0x16: {  	[tilespmem:s3], [sflag:$0x5] =	stream.linear.gather [hbm4b:s28+s3], $0x40, $0x38;
	[tilespmem:$0x14080] =	vst v63  }
0x17: {  	_ =	swait.ge [sflag:s0], $0x40  }
0x18: {  	[sflag:s0] =	ssyncset.done $0x0  }
0x19: {  	[sflag:s0] =	ssyncadd.s32 $0xFFFFFFC0  }
0x1a: {  	v3 =	vld [tilespmem:$0x0];
	_ =	sdelay $0x4  }
0x1b: {  	v4 =	vshrl.u32 v3, $0x3  }
0x1c: {  	v4 =	vmul.u32 $0xA0, v4  }
0x1d: {  	v3 =	vand.u32 $0x7, v3  }
0x1e: {  	v3 =	vor.u32 v3, v4  }
0x1f: {  	v4 =	vperm.xlane v3, v0;
	_ =	sdelay $0x1  }
0x20: {  	v4 =	vadd.s32 v1, v4;
	_ =	sdelay $0x3  }
0x21: {  	s0 =	rddreg [dreg:$0x0]  }
0x22: {  	[tilespmem:s19], [sflag:$0x1] =	stream.indirect_vreg.gather [hbm4b:s0+s3], $0x80, v4, vm0, $0xb8;
	[tilespmem:$0x14080] =	vst v63  }
0x23: {  	_ = 	snop  }
0x24: {  	[tilespmem:s29], [sflag:$0x1] =	stream.indirect_vreg.gather [hbm4b:s4+s3], $0x80, v4, vm0, $0xb8;
	[tilespmem:$0x14080] =	vst v63  }
0x25: {  	_ = 	snop  }
0x26: {  	[tilespmem:s30], [sflag:$0x1] =	stream.indirect_vreg.gather [hbm4b:s5+s3], $0x80, v4, vm0, $0xb8;
	[tilespmem:$0x14080] =	vst v63  }
0x27: {  	_ = 	snop  }
0x28: {  	[tilespmem:s31], [sflag:$0x1] =	stream.indirect_vreg.gather [hbm4b:s6+s3], $0x80, v4, vm0, $0xb8;
	[tilespmem:$0x14080] =	vst v63  }
0x29: {  	s1 =	simm.s32 $0x2080  }
0x2a: {  	[tilespmem:s1], [sflag:$0x1] =	stream.indirect_vreg.gather [hbm4b:s7+s3], $0x80, v4, vm0, $0xb8;
	[tilespmem:$0x14080] =	vst v63  }
0x2b: {  	s28 =	simm.s32 $0x2880  }
0x2c: {  	[tilespmem:s28], [sflag:$0x1] =	stream.indirect_vreg.gather [hbm4b:s8+s3], $0x80, v4, vm0, $0xb8;
	[tilespmem:$0x14080] =	vst v63  }
0x2d: {  	_ = 	snop  }
0x2e: {  	[tilespmem:s16], [sflag:$0x1] =	stream.indirect_vreg.gather [hbm4b:s9+s3], $0x80, v4, vm0, $0xb8;
	[tilespmem:$0x14080] =	vst v63  }
0x2f: {  	v3 =	vperm.xlane v3, v2  }
0x30: {  	[tilespmem:s17], [sflag:$0x1] =	stream.indirect_vreg.gather [hbm4b:s10+s3], $0x80, v4, vm0, $0xb8;
	[tilespmem:$0x14080] =	vst v63  }
0x31: {  	v3 =	vadd.s32 v1, v3  }
0x32: {  	[tilespmem:s20], [sflag:$0x1] =	stream.indirect_vreg.gather [hbm4b:s11+s3], $0x80, v4, vm0, $0xb8;
	[tilespmem:$0x14080] =	vst v63  }
0x33: {  	_ = 	snop  }
0x34: {  	[tilespmem:s21], [sflag:$0x1] =	stream.indirect_vreg.gather [hbm4b:s12+s3], $0x80, v4, vm0, $0xb8;
	[tilespmem:$0x14080] =	vst v63  }
0x35: {  	_ = 	snop  }
0x36: {  	[tilespmem:s22], [sflag:$0x1] =	stream.indirect_vreg.gather [hbm4b:s0+s3], $0x80, v3, vm0, $0xb8;
	[tilespmem:$0x14080] =	vst v63  }
0x37: {  	_ = 	snop  }
0x38: {  	[tilespmem:s23], [sflag:$0x1] =	stream.indirect_vreg.gather [hbm4b:s4+s3], $0x80, v3, vm0, $0xb8;
	[tilespmem:$0x14080] =	vst v63  }
0x39: {  	s14 =	simm.s32 $0x6080  }
0x3a: {  	[tilespmem:s14], [sflag:$0x1] =	stream.indirect_vreg.gather [hbm4b:s5+s3], $0x80, v3, vm0, $0xb8;
	[tilespmem:$0x14080] =	vst v63  }
0x3b: {  	_ = 	snop  }
0x3c: {  	[tilespmem:s15], [sflag:$0x1] =	stream.indirect_vreg.gather [hbm4b:s6+s3], $0x80, v3, vm0, $0xb8;
	[tilespmem:$0x14080] =	vst v63  }
0x3d: {  	_ = 	snop  }
0x3e: {  	[tilespmem:s18], [sflag:$0x1] =	stream.indirect_vreg.gather [hbm4b:s7+s3], $0x80, v3, vm0, $0xb8;
	[tilespmem:$0x14080] =	vst v63  }
0x3f: {  	s28 =	simm.s32 $0x7880  }
0x40: {  	[tilespmem:s28], [sflag:$0x1] =	stream.indirect_vreg.gather [hbm4b:s8+s3], $0x80, v3, vm0, $0xb8;
	[tilespmem:$0x14080] =	vst v63  }
0x41: {  	s14 =	simm.s32 $0x8080  }
0x42: {  	[tilespmem:s14], [sflag:$0x1] =	stream.indirect_vreg.gather [hbm4b:s9+s3], $0x80, v3, vm0, $0xb8;
	[tilespmem:$0x14080] =	vst v63  }
0x43: {  	s28 =	simm.s32 $0x8880  }
0x44: {  	[tilespmem:s28], [sflag:$0x1] =	stream.indirect_vreg.gather [hbm4b:s10+s3], $0x80, v3, vm0, $0xb8;
	[tilespmem:$0x14080] =	vst v63  }
0x45: {  	s14 =	simm.s32 $0x9080  }
0x46: {  	[tilespmem:s14], [sflag:$0x1] =	stream.indirect_vreg.gather [hbm4b:s11+s3], $0x80, v3, vm0, $0xb8;
	[tilespmem:$0x14080] =	vst v63  }
0x47: {  	s28 =	simm.s32 $0x9880  }
0x48: {  	[tilespmem:s28], [sflag:$0x1] =	stream.indirect_vreg.gather [hbm4b:s12+s3], $0x80, v3, vm0, $0xb8;
	[tilespmem:$0x14080] =	vst v63  }
0x49: {  	_ =	swait.ge [sflag:s24], $0xA000  }
0x4a: {  	[sflag:s24] =	ssyncset.done $0x0  }
0x4b: {  	[sflag:s24] =	ssyncadd.s32 $0xFFFF6000  }
0x4c: {  	v3 =	vld [tilespmem:$0x10];
	_ =	sdelay $0x4  }
0x4d: {  	v61 =	vshrl.u32 v3, $0x3  }
0x4e: {  	v4 =	vmul.u32 $0xA0, v61  }
0x4f: {  	v3 =	vand.u32 $0x7, v3  }
0x50: {  	v3 =	vor.u32 v3, v4  }
0x51: {  	v4 =	vperm.xlane v3, v0;
	_ =	sdelay $0x1  }
0x52: {  	v4 =	vadd.s32 v1, v4;
	_ =	sdelay $0x3  }
0x53: {  	s1 =	simm.s32 $0xA080  }
0x54: {  	[tilespmem:s1], [sflag:$0x2] =	stream.indirect_vreg.gather [hbm4b:s0+s3], $0x80, v4, vm0, $0xb8;
	[tilespmem:$0x14080] =	vst v63  }
0x55: {  	s14 =	simm.s32 $0xA880  }
0x56: {  	[tilespmem:s14], [sflag:$0x2] =	stream.indirect_vreg.gather [hbm4b:s4+s3], $0x80, v4, vm0, $0xb8;
	[tilespmem:$0x14080] =	vst v63  }
0x57: {  	s14 =	simm.s32 $0xB080  }
0x58: {  	[tilespmem:s14], [sflag:$0x2] =	stream.indirect_vreg.gather [hbm4b:s5+s3], $0x80, v4, vm0, $0xb8;
	[tilespmem:$0x14080] =	vst v63  }
0x59: {  	s14 =	simm.s32 $0xB880  }
0x5a: {  	[tilespmem:s14], [sflag:$0x2] =	stream.indirect_vreg.gather [hbm4b:s6+s3], $0x80, v4, vm0, $0xb8;
	[tilespmem:$0x14080] =	vst v63  }
0x5b: {  	s14 =	simm.s32 $0xC080  }
0x5c: {  	[tilespmem:s14], [sflag:$0x2] =	stream.indirect_vreg.gather [hbm4b:s7+s3], $0x80, v4, vm0, $0xb8;
	[tilespmem:$0x14080] =	vst v63  }
0x5d: {  	s14 =	simm.s32 $0xC880  }
0x5e: {  	[tilespmem:s14], [sflag:$0x2] =	stream.indirect_vreg.gather [hbm4b:s8+s3], $0x80, v4, vm0, $0xb8;
	[tilespmem:$0x14080] =	vst v63  }
0x5f: {  	s14 =	simm.s32 $0xD080  }
0x60: {  	[tilespmem:s14], [sflag:$0x2] =	stream.indirect_vreg.gather [hbm4b:s9+s3], $0x80, v4, vm0, $0xb8;
	[tilespmem:$0x14080] =	vst v63  }
0x61: {  	v3 =	vperm.xlane v3, v2;
	s14 =	simm.s32 $0xD880  }
0x62: {  	[tilespmem:s14], [sflag:$0x2] =	stream.indirect_vreg.gather [hbm4b:s10+s3], $0x80, v4, vm0, $0xb8;
	[tilespmem:$0x14080] =	vst v63  }
0x63: {  	v3 =	vadd.s32 v1, v3;
	s14 =	simm.s32 $0xE080  }
0x64: {  	[tilespmem:s14], [sflag:$0x2] =	stream.indirect_vreg.gather [hbm4b:s11+s3], $0x80, v4, vm0, $0xb8;
	[tilespmem:$0x14080] =	vst v63  }
0x65: {  	s14 =	simm.s32 $0xE880  }
0x66: {  	[tilespmem:s14], [sflag:$0x2] =	stream.indirect_vreg.gather [hbm4b:s12+s3], $0x80, v4, vm0, $0xb8;
	[tilespmem:$0x14080] =	vst v63  }
0x67: {  	s14 =	simm.s32 $0xF080  }
0x68: {  	[tilespmem:s14], [sflag:$0x2] =	stream.indirect_vreg.gather [hbm4b:s0+s3], $0x80, v3, vm0, $0xb8;
	[tilespmem:$0x14080] =	vst v63  }
0x69: {  	s14 =	simm.s32 $0xF880  }
0x6a: {  	[tilespmem:s14], [sflag:$0x2] =	stream.indirect_vreg.gather [hbm4b:s4+s3], $0x80, v3, vm0, $0xb8;
	[tilespmem:$0x14080] =	vst v63  }
0x6b: {  	s14 =	simm.s32 $0x10080  }
0x6c: {  	[tilespmem:s14], [sflag:$0x2] =	stream.indirect_vreg.gather [hbm4b:s5+s3], $0x80, v3, vm0, $0xb8;
	[tilespmem:$0x14080] =	vst v63  }
0x6d: {  	s14 =	simm.s32 $0x10880  }
0x6e: {  	[tilespmem:s14], [sflag:$0x2] =	stream.indirect_vreg.gather [hbm4b:s6+s3], $0x80, v3, vm0, $0xb8;
	[tilespmem:$0x14080] =	vst v63  }
0x6f: {  	s14 =	simm.s32 $0x11080  }
0x70: {  	[tilespmem:s14], [sflag:$0x2] =	stream.indirect_vreg.gather [hbm4b:s7+s3], $0x80, v3, vm0, $0xb8;
	[tilespmem:$0x14080] =	vst v63  }
0x71: {  	s14 =	simm.s32 $0x11880  }
0x72: {  	[tilespmem:s14], [sflag:$0x2] =	stream.indirect_vreg.gather [hbm4b:s8+s3], $0x80, v3, vm0, $0xb8;
	[tilespmem:$0x14080] =	vst v63  }
0x73: {  	s14 =	simm.s32 $0x12080  }
0x74: {  	[tilespmem:s14], [sflag:$0x2] =	stream.indirect_vreg.gather [hbm4b:s9+s3], $0x80, v3, vm0, $0xb8;
	[tilespmem:$0x14080] =	vst v63  }
0x75: {  	s14 =	simm.s32 $0x12880  }
0x76: {  	[tilespmem:s14], [sflag:$0x2] =	stream.indirect_vreg.gather [hbm4b:s10+s3], $0x80, v3, vm0, $0xb8;
	[tilespmem:$0x14080] =	vst v63  }
0x77: {  	s14 =	simm.s32 $0x13080  }
0x78: {  	[tilespmem:s14], [sflag:$0x2] =	stream.indirect_vreg.gather [hbm4b:s11+s3], $0x80, v3, vm0, $0xb8;
	[tilespmem:$0x14080] =	vst v63  }
0x79: {  	s14 =	simm.s32 $0x13880  }
0x7a: {  	[tilespmem:s14], [sflag:$0x2] =	stream.indirect_vreg.gather [hbm4b:s12+s3], $0x80, v3, vm0, $0xb8;
	[tilespmem:$0x14080] =	vst v63  }
0x7b: {  	s28 =	rddreg [dreg:$0x5]  }
0x7c: {  	[hbm4b:s28+s3] =	stream.linear.scatter [tilespmem:s19], [sflag:$0x3], $0xA000, $0x38;
	[tilespmem:$0x14080] =	vst v63  }
0x7d: {  	_ =	swait.ge [sflag:s2], $0xA000  }
0x7e: {  	[sflag:s2] =	ssyncset.done $0x0  }
0x7f: {  	[sflag:s2] =	ssyncadd.s32 $0xFFFF6000  }
0x80: {  	_ =	swait.ge [sflag:s25], $0xA000  }
0x81: {  	[sflag:s25] =	ssyncset.done $0x0  }
0x82: {  	[sflag:s25] =	ssyncadd.s32 $0xFFFF6000  }
0x83: {  	v3 =	vld [tilespmem:$0x20];
	_ =	sdelay $0x4  }
0x84: {  	v62 =	vshrl.u32 v3, $0x3  }
0x85: {  	v4 =	vmul.u32 $0xA0, v62  }
0x86: {  	v3 =	vand.u32 $0x7, v3  }
0x87: {  	v3 =	vor.u32 v3, v4  }
0x88: {  	v4 =	vperm.xlane v3, v0;
	_ =	sdelay $0x1  }
0x89: {  	v4 =	vadd.s32 v1, v4;
	_ =	sdelay $0x4  }
0x8a: {  	[tilespmem:s19], [sflag:$0x1] =	stream.indirect_vreg.gather [hbm4b:s0+s3], $0x80, v4, vm0, $0xb8;
	[tilespmem:$0x14080] =	vst v63  }
0x8b: {  	_ = 	snop  }
0x8c: {  	[tilespmem:s29], [sflag:$0x1] =	stream.indirect_vreg.gather [hbm4b:s4+s3], $0x80, v4, vm0, $0xb8;
	[tilespmem:$0x14080] =	vst v63  }
0x8d: {  	_ = 	snop  }
0x8e: {  	[tilespmem:s30], [sflag:$0x1] =	stream.indirect_vreg.gather [hbm4b:s5+s3], $0x80, v4, vm0, $0xb8;
	[tilespmem:$0x14080] =	vst v63  }
0x8f: {  	_ = 	snop  }
0x90: {  	[tilespmem:s31], [sflag:$0x1] =	stream.indirect_vreg.gather [hbm4b:s6+s3], $0x80, v4, vm0, $0xb8;
	[tilespmem:$0x14080] =	vst v63  }
0x91: {  	s28 =	simm.s32 $0x2080  }
0x92: {  	[tilespmem:s28], [sflag:$0x1] =	stream.indirect_vreg.gather [hbm4b:s7+s3], $0x80, v4, vm0, $0xb8;
	[tilespmem:$0x14080] =	vst v63  }
0x93: {  	s28 =	simm.s32 $0x2880  }
0x94: {  	[tilespmem:s28], [sflag:$0x1] =	stream.indirect_vreg.gather [hbm4b:s8+s3], $0x80, v4, vm0, $0xb8;
	[tilespmem:$0x14080] =	vst v63  }
0x95: {  	_ = 	snop  }
0x96: {  	[tilespmem:s16], [sflag:$0x1] =	stream.indirect_vreg.gather [hbm4b:s9+s3], $0x80, v4, vm0, $0xb8;
	[tilespmem:$0x14080] =	vst v63  }
0x97: {  	v3 =	vperm.xlane v3, v2  }
0x98: {  	[tilespmem:s17], [sflag:$0x1] =	stream.indirect_vreg.gather [hbm4b:s10+s3], $0x80, v4, vm0, $0xb8;
	[tilespmem:$0x14080] =	vst v63  }
0x99: {  	v3 =	vadd.s32 v1, v3  }
0x9a: {  	[tilespmem:s20], [sflag:$0x1] =	stream.indirect_vreg.gather [hbm4b:s11+s3], $0x80, v4, vm0, $0xb8;
	[tilespmem:$0x14080] =	vst v63  }
0x9b: {  	_ = 	snop  }
0x9c: {  	[tilespmem:s21], [sflag:$0x1] =	stream.indirect_vreg.gather [hbm4b:s12+s3], $0x80, v4, vm0, $0xb8;
	[tilespmem:$0x14080] =	vst v63  }
0x9d: {  	_ = 	snop  }
0x9e: {  	[tilespmem:s22], [sflag:$0x1] =	stream.indirect_vreg.gather [hbm4b:s0+s3], $0x80, v3, vm0, $0xb8;
	[tilespmem:$0x14080] =	vst v63  }
0x9f: {  	_ = 	snop  }
0xa0: {  	[tilespmem:s23], [sflag:$0x1] =	stream.indirect_vreg.gather [hbm4b:s4+s3], $0x80, v3, vm0, $0xb8;
	[tilespmem:$0x14080] =	vst v63  }
0xa1: {  	s28 =	simm.s32 $0x6080  }
0xa2: {  	[tilespmem:s28], [sflag:$0x1] =	stream.indirect_vreg.gather [hbm4b:s5+s3], $0x80, v3, vm0, $0xb8;
	[tilespmem:$0x14080] =	vst v63  }
0xa3: {  	_ = 	snop  }
0xa4: {  	[tilespmem:s15], [sflag:$0x1] =	stream.indirect_vreg.gather [hbm4b:s6+s3], $0x80, v3, vm0, $0xb8;
	[tilespmem:$0x14080] =	vst v63  }
0xa5: {  	_ = 	snop  }
0xa6: {  	[tilespmem:s18], [sflag:$0x1] =	stream.indirect_vreg.gather [hbm4b:s7+s3], $0x80, v3, vm0, $0xb8;
	[tilespmem:$0x14080] =	vst v63  }
0xa7: {  	s28 =	simm.s32 $0x7880  }
0xa8: {  	[tilespmem:s28], [sflag:$0x1] =	stream.indirect_vreg.gather [hbm4b:s8+s3], $0x80, v3, vm0, $0xb8;
	[tilespmem:$0x14080] =	vst v63  }
0xa9: {  	s28 =	simm.s32 $0x8080  }
0xaa: {  	[tilespmem:s28], [sflag:$0x1] =	stream.indirect_vreg.gather [hbm4b:s9+s3], $0x80, v3, vm0, $0xb8;
	[tilespmem:$0x14080] =	vst v63  }
0xab: {  	s28 =	simm.s32 $0x8880  }
0xac: {  	[tilespmem:s28], [sflag:$0x1] =	stream.indirect_vreg.gather [hbm4b:s10+s3], $0x80, v3, vm0, $0xb8;
	[tilespmem:$0x14080] =	vst v63  }
0xad: {  	s28 =	simm.s32 $0x9080  }
0xae: {  	[tilespmem:s28], [sflag:$0x1] =	stream.indirect_vreg.gather [hbm4b:s11+s3], $0x80, v3, vm0, $0xb8;
	[tilespmem:$0x14080] =	vst v63  }
0xaf: {  	s14 =	simm.s32 $0x9880  }
0xb0: {  	[tilespmem:s14], [sflag:$0x1] =	stream.indirect_vreg.gather [hbm4b:s12+s3], $0x80, v3, vm0, $0xb8;
	[tilespmem:$0x14080] =	vst v63  }
0xb1: {  	s28 =	rddreg [dreg:$0x6]  }
0xb2: {  	[hbm4b:s28+s3] =	stream.linear.scatter [tilespmem:s1], [sflag:$0x4], $0xA000, $0x38;
	[tilespmem:$0x14080] =	vst v63  }
0xb3: {  	_ =	swait.ge [sflag:s24], $0xA000  }
0xb4: {  	[sflag:s24] =	ssyncset.done $0x0  }
0xb5: {  	[sflag:s24] =	ssyncadd.s32 $0xFFFF6000  }
0xb6: {  	_ =	swait.ge [sflag:s26], $0xA000  }
0xb7: {  	[sflag:s26] =	ssyncset.done $0x0  }
0xb8: {  	[sflag:s26] =	ssyncadd.s32 $0xFFFF6000  }
0xb9: {  	v3 =	vld [tilespmem:$0x30];
	_ =	sdelay $0x4  }
0xba: {  	v63 =	vshrl.u32 v3, $0x3  }
0xbb: {  	v4 =	vmul.u32 $0xA0, v63  }
0xbc: {  	v3 =	vand.u32 $0x7, v3  }
0xbd: {  	v3 =	vor.u32 v3, v4  }
0xbe: {  	v4 =	vperm.xlane v3, v0;
	_ =	sdelay $0x1  }
0xbf: {  	v4 =	vadd.s32 v1, v4;
	_ =	sdelay $0x4  }
0xc0: {  	[tilespmem:s1], [sflag:$0x2] =	stream.indirect_vreg.gather [hbm4b:s0+s3], $0x80, v4, vm0, $0xb8;
	[tilespmem:$0x14080] =	vst v63  }
0xc1: {  	s28 =	simm.s32 $0xA880  }
0xc2: {  	[tilespmem:s28], [sflag:$0x2] =	stream.indirect_vreg.gather [hbm4b:s4+s3], $0x80, v4, vm0, $0xb8;
	[tilespmem:$0x14080] =	vst v63  }
0xc3: {  	s28 =	simm.s32 $0xB080  }
0xc4: {  	[tilespmem:s28], [sflag:$0x2] =	stream.indirect_vreg.gather [hbm4b:s5+s3], $0x80, v4, vm0, $0xb8;
	[tilespmem:$0x14080] =	vst v63  }
0xc5: {  	s28 =	simm.s32 $0xB880  }
0xc6: {  	[tilespmem:s28], [sflag:$0x2] =	stream.indirect_vreg.gather [hbm4b:s6+s3], $0x80, v4, vm0, $0xb8;
	[tilespmem:$0x14080] =	vst v63  }
0xc7: {  	s28 =	simm.s32 $0xC080  }
0xc8: {  	[tilespmem:s28], [sflag:$0x2] =	stream.indirect_vreg.gather [hbm4b:s7+s3], $0x80, v4, vm0, $0xb8;
	[tilespmem:$0x14080] =	vst v63  }
0xc9: {  	s28 =	simm.s32 $0xC880  }
0xca: {  	[tilespmem:s28], [sflag:$0x2] =	stream.indirect_vreg.gather [hbm4b:s8+s3], $0x80, v4, vm0, $0xb8;
	[tilespmem:$0x14080] =	vst v63  }
0xcb: {  	s28 =	simm.s32 $0xD080  }
0xcc: {  	[tilespmem:s28], [sflag:$0x2] =	stream.indirect_vreg.gather [hbm4b:s9+s3], $0x80, v4, vm0, $0xb8;
	[tilespmem:$0x14080] =	vst v63  }
0xcd: {  	v3 =	vperm.xlane v3, v2;
	s28 =	simm.s32 $0xD880  }
0xce: {  	[tilespmem:s28], [sflag:$0x2] =	stream.indirect_vreg.gather [hbm4b:s10+s3], $0x80, v4, vm0, $0xb8;
	[tilespmem:$0x14080] =	vst v63  }
0xcf: {  	v3 =	vadd.s32 v1, v3;
	s28 =	simm.s32 $0xE080  }
0xd0: {  	[tilespmem:s28], [sflag:$0x2] =	stream.indirect_vreg.gather [hbm4b:s11+s3], $0x80, v4, vm0, $0xb8;
	[tilespmem:$0x14080] =	vst v63  }
0xd1: {  	s28 =	simm.s32 $0xE880  }
0xd2: {  	[tilespmem:s28], [sflag:$0x2] =	stream.indirect_vreg.gather [hbm4b:s12+s3], $0x80, v4, vm0, $0xb8;
	[tilespmem:$0x14080] =	vst v63  }
0xd3: {  	s28 =	simm.s32 $0xF080  }
0xd4: {  	[tilespmem:s28], [sflag:$0x2] =	stream.indirect_vreg.gather [hbm4b:s0+s3], $0x80, v3, vm0, $0xb8;
	[tilespmem:$0x14080] =	vst v63  }
0xd5: {  	s14 =	simm.s32 $0xF880  }
0xd6: {  	[tilespmem:s14], [sflag:$0x2] =	stream.indirect_vreg.gather [hbm4b:s4+s3], $0x80, v3, vm0, $0xb8;
	[tilespmem:$0x14080] =	vst v63  }
0xd7: {  	s28 =	simm.s32 $0x10080  }
0xd8: {  	[tilespmem:s28], [sflag:$0x2] =	stream.indirect_vreg.gather [hbm4b:s5+s3], $0x80, v3, vm0, $0xb8;
	[tilespmem:$0x14080] =	vst v63  }
0xd9: {  	s14 =	simm.s32 $0x10880  }
0xda: {  	[tilespmem:s14], [sflag:$0x2] =	stream.indirect_vreg.gather [hbm4b:s6+s3], $0x80, v3, vm0, $0xb8;
	[tilespmem:$0x14080] =	vst v63  }
0xdb: {  	s28 =	simm.s32 $0x11080  }
0xdc: {  	[tilespmem:s28], [sflag:$0x2] =	stream.indirect_vreg.gather [hbm4b:s7+s3], $0x80, v3, vm0, $0xb8;
	[tilespmem:$0x14080] =	vst v63  }
0xdd: {  	s14 =	simm.s32 $0x11880  }
0xde: {  	[tilespmem:s14], [sflag:$0x2] =	stream.indirect_vreg.gather [hbm4b:s8+s3], $0x80, v3, vm0, $0xb8;
	[tilespmem:$0x14080] =	vst v63  }
0xdf: {  	s28 =	simm.s32 $0x12080  }
0xe0: {  	[tilespmem:s28], [sflag:$0x2] =	stream.indirect_vreg.gather [hbm4b:s9+s3], $0x80, v3, vm0, $0xb8;
	[tilespmem:$0x14080] =	vst v63  }
0xe1: {  	s14 =	simm.s32 $0x12880  }
0xe2: {  	[tilespmem:s14], [sflag:$0x2] =	stream.indirect_vreg.gather [hbm4b:s10+s3], $0x80, v3, vm0, $0xb8;
	[tilespmem:$0x14080] =	vst v63  }
0xe3: {  	s28 =	simm.s32 $0x13080  }
0xe4: {  	[tilespmem:s28], [sflag:$0x2] =	stream.indirect_vreg.gather [hbm4b:s11+s3], $0x80, v3, vm0, $0xb8;
	[tilespmem:$0x14080] =	vst v63  }
0xe5: {  	s14 =	simm.s32 $0x13880  }
0xe6: {  	[tilespmem:s14], [sflag:$0x2] =	stream.indirect_vreg.gather [hbm4b:s12+s3], $0x80, v3, vm0, $0xb8;
	[tilespmem:$0x14080] =	vst v63  }
0xe7: {  	s28 =	rddreg [dreg:$0x7]  }
0xe8: {  	[hbm4b:s28+s3] =	stream.linear.scatter [tilespmem:s19], [sflag:$0x3], $0xA000, $0x38;
	[tilespmem:$0x14080] =	vst v63  }
0xe9: {  	_ =	swait.ge [sflag:s2], $0xA000  }
0xea: {  	[sflag:s2] =	ssyncset.done $0x0  }
0xeb: {  	s14 =	rddreg [dreg:$0x8];
	[sflag:s2] =	ssyncadd.s32 $0xFFFF6000  }
0xec: {  	[hbm4b:s14+s3] =	stream.linear.scatter [tilespmem:s1], [sflag:$0x4], $0xA000, $0x38;
	[tilespmem:$0x14080] =	vst v63  }
0xed: {  	p0 =	sne.s32 s13, $0x1;
	_ =	swait.ge [sflag:s25], $0xA000  }
.Ltmp0:
0xee: {  	[sflag:s25] =	ssyncset.done $0x0;
	(pc) =	sbr.rel @p0 .LBB2_1-.Ltmp0, $4  }
0xef: {  	[sflag:s25] =	ssyncadd.s32 $0xFFFF6000  }
0xf0: {  	_ =	swait.ge [sflag:s26], $0xA000  }
0xf1: {  	[sflag:s26] =	ssyncset.done $0x0  }
0xf2: {  	s13 =	sadd.s32 $0xFFFFFFFF, s13;
	[sflag:s26] =	ssyncadd.s32 $0xFFFF6000  }
0xf3: {  	_ =	sfence.sel $0x180000  }
0xf4: {  	[bflag:$0x0] =	sbarrier.arrive $0xFFFF  }
0xf5: {  	_ =	strace $0x90000047  }
0xf6: {  	s0 =	stileid.u32;
	[bflag:$0x2] =	sbarrier.arrive $0xFFFF  }
0xf7: {  	p0 =	sne.s32 s0, $0x0;
	s0 =	rddreg [dreg:$0x3]  }
0xf8: {  	s0 =	sadd.s32 @!p0 $0x100000, s0  }
0xf9: {  	[sflag:s0] =	ssyncadd.tile.s32 @!p0 $0x1;
	_ =	shalt  }
.Lfunc_end2:
_tile_overlayer_lowered:
.L_overlay_start_2:
0xfa: {  	(tag) =	ssettag $0x2  }
0xfb: {  	s0 =	rddreg [dreg:$0x0];
	s2 =	stileid.u32  }
0xfc: {  	s1 =	rddreg [dreg:$0x1];
	p0 =	sne.s32 s2, $0x0  }
0xfd: {  	s3 =	rddreg [dreg:$0x2];
	[bflag:$0x3] =	sbarrier.arrive $0xFFFF;
	s2 =	simm.s32 @!p0 $0x1C05  }
0xfe: {  	[timem:s3], [sflag:s2] =	dma.local @!p0 [hbm:s0], s1  }
0xff: {  	s0 =	simm.s32 @!p0 $0x5  }
0x100: {  	_ =	swait.ge @!p0 [sflag:s0], s1  }
0x101: {  	s1 =	ssub.s32 @!p0 $0x0, s1;
	[sflag:s0] =	ssyncset.done @!p0 $0x0  }
0x102: {  	[sflag:s0] =	ssyncadd.s32 @!p0 s1  }
0x103: {  	[bflag:$0x3] =	sbarrier.arrive $0xFFFF  }
0x104: {  	_ =	shalt  }

</sc_bundles>
